<compile_context>
chip_gen: v7x
topology: tpu7x:2x2x1
jax: 0.10.2.dev20260603
libtpu: 0.0.44.dev20260713+nightly
codegen_flags: <defaults>
</compile_context>

<pallas_src>
import functools

import jax
import jax.numpy as jnp
from jax import lax
from jax.experimental import pallas as pl
from jax.experimental.pallas import tpu as pltpu
from jax.experimental.pallas import tpu_sc as plsc

B, S, D_IN = 8, 512, 512
G, K, D_CODE = 2, 320, 256
DG = D_CODE // G
N = B * S
NG = N * G
R = 512
GRID = N // R

NC, NS = 2, 16
NW = NC * NS
N_PER_W = N // NW


def _tc_body(hs_ref, w_ref, b_ref, gu_ref, idx_ref, ppl_ref, msum_ref):
    i = pl.program_id(0)
    logits = jnp.dot(hs_ref[...], w_ref[...], preferred_element_type=jnp.float32)
    logits = logits + b_ref[...]

    noise = -jnp.log(-jnp.log(gu_ref[...]))
    nt = jnp.transpose(noise).reshape(R, G, K)

    iota = jax.lax.broadcasted_iota(jnp.int32, (R, K), 1)

    z0 = logits[:, :K] + nt[:, 0, :]
    m0 = jnp.max(z0, axis=1, keepdims=True)
    i0 = jnp.min(jnp.where(z0 >= m0, iota, K), axis=1, keepdims=True)
    z1 = logits[:, K:] + nt[:, 1, :]
    m1 = jnp.max(z1, axis=1, keepdims=True)
    i1 = jnp.min(jnp.where(z1 >= m1, iota, K), axis=1, keepdims=True)
    idx_ref[...] = jnp.transpose(jnp.concatenate([i0, i1 + K], axis=1))

    e0 = jnp.exp(logits[:, :K])
    s0 = e0 / jnp.sum(e0, axis=1, keepdims=True)
    e1 = jnp.exp(logits[:, K:])
    s1 = e1 / jnp.sum(e1, axis=1, keepdims=True)
    part = jnp.concatenate(
        [jnp.sum(s0, axis=0, keepdims=True), jnp.sum(s1, axis=0, keepdims=True)],
        axis=1,
    )

    @pl.when(i == 0)
    def _():
        msum_ref[...] = part

    @pl.when(i > 0)
    def _():
        msum_ref[...] += part

    @pl.when(i == GRID - 1)
    def _():
        m = msum_ref[...] / float(N)
        t = m * jnp.log(m + 1e-7)
        p0 = jnp.exp(-jnp.sum(t[:, :K], keepdims=True))
        p1 = jnp.exp(-jnp.sum(t[:, K:], keepdims=True))
        ppl_ref[...] = p0 + p1


@functools.cache
def _make_sc_gather():
    mesh = plsc.VectorSubcoreMesh(core_axis_name="c", subcore_axis_name="s")

    @functools.partial(
        pl.kernel,
        mesh=mesh,
        out_type=jax.ShapeDtypeStruct((N, D_CODE), jnp.float32),
        scratch_types=[
            pltpu.VMEM((G, N_PER_W), jnp.int32),
            pltpu.VMEM((G, N_PER_W, DG), jnp.float32),
            pltpu.SemaphoreType.DMA,
        ],
    )
    def _sc_gather(table_hbm, idx_hbm, out_hbm, idx_v, rows_v, sem):
        wid = lax.axis_index("s") * NC + lax.axis_index("c")
        base = wid * N_PER_W
        for g in range(G):
            pltpu.sync_copy(idx_hbm.at[g, pl.ds(base, N_PER_W)], idx_v.at[g])
        copies = [
            pltpu.async_copy(table_hbm.at[idx_v.at[g]], rows_v.at[g], sem)
            for g in range(G)
        ]
        for c in copies:
            c.wait()
        for g in range(G):
            pltpu.sync_copy(
                rows_v.at[g],
                out_hbm.at[pl.ds(base, N_PER_W), pl.ds(g * DG, DG)],
            )

    return _sc_gather


def kernel(hidden_states, gumbel_u, W, b, codevectors):
    hs2 = hidden_states.reshape(N, D_IN)
    gu_t = gumbel_u.T
    b2 = b.reshape(1, G * K)
    cv2 = codevectors.reshape(G * K, DG)

    idx, ppl = pl.pallas_call(
        _tc_body,
        grid=(GRID,),
        in_specs=[
            pl.BlockSpec((R, D_IN), lambda i: (i, 0)),
            pl.BlockSpec((D_IN, G * K), lambda i: (0, 0)),
            pl.BlockSpec((1, G * K), lambda i: (0, 0)),
            pl.BlockSpec((K, G * R), lambda i: (0, i)),
        ],
        out_specs=[
            pl.BlockSpec((G, R), lambda i: (0, i)),
            pl.BlockSpec((1, 1), lambda i: (0, 0)),
        ],
        out_shape=[
            jax.ShapeDtypeStruct((G, N), jnp.int32),
            jax.ShapeDtypeStruct((1, 1), jnp.float32),
        ],
        scratch_shapes=[pltpu.VMEM((1, G * K), jnp.float32)],
        compiler_params=pltpu.CompilerParams(
            dimension_semantics=("arbitrary",),
        ),
    )(hs2, W, b2, gu_t)

    out = _make_sc_gather()(cv2, idx)

    return out.reshape(B, S, D_CODE), ppl[0, 0]

# --- scband reference (transcript-rebuilt; emitter-appended) ---
"""Pipeline reference for scband-wav2-vec2-gumbel-vector-quantizer-8899172238060 (READ-ONLY COPY).

The authoritative reference and input builder live on the scoring server;
editing this copy changes nothing except your own understanding.
"""

import jax, jax.numpy as jnp
import numpy as np

B, S, D_IN = 8, 512, 512
G, K, D_CODE = 2, 320, 256
TAU = 2.0


def setup_inputs(seed: int = 0) -> dict:
    key = jax.random.key(seed)
    k1, k2, k3, k4 = jax.random.split(key, 4)
    hidden_states = jax.random.normal(k1, (B, S, D_IN), dtype=jnp.float32)
    W = jax.random.normal(k2, (D_IN, G * K), dtype=jnp.float32) * 0.02
    b = jnp.zeros((G * K,), dtype=jnp.float32)
    codevectors = jax.random.uniform(k3, (1, G * K, D_CODE // G), dtype=jnp.float32)
    gumbel_u = jax.random.uniform(k4, (B * S * G, K), dtype=jnp.float32)
    return {"hidden_states": hidden_states, "gumbel_u": gumbel_u, "W": W, "b": b, "codevectors": codevectors}


def reference(hidden_states, gumbel_u, W, b, codevectors):
    bsz, seq, _ = hidden_states.shape
    # weight projection
    logits = hidden_states @ W + b                       # (B, S, G*K)
    logits = logits.reshape(bsz * seq * G, K).astype(jnp.float32)
    # gumbel-softmax with hard straight-through (training path)
    g = -jnp.log(-jnp.log(jnp.clip(gumbel_u, 1e-10, 1.0 - 1e-10)))
    y_soft = jax.nn.softmax((logits + g) / TAU, axis=-1)
    idx = jnp.argmax(y_soft, axis=-1)
    y_hard = jax.nn.one_hot(idx, K, dtype=y_soft.dtype)
    codevector_probs = y_hard - jax.lax.stop_gradient(y_soft) + y_soft
    # perplexity over soft distribution (no mask)
    soft_dist = jax.nn.softmax(logits.reshape(bsz * seq, G, K), axis=-1)
    marginal = jnp.mean(soft_dist, axis=0)
    perplexity = jnp.sum(jnp.exp(-jnp.sum(marginal * jnp.log(marginal + 1e-7), axis=-1)))
    # probs (N, G*K) times codevectors (1, G*K, d/G), summed over K per group
    probs = codevector_probs.reshape(bsz * seq, G, K)
    cv = codevectors.reshape(G, K, D_CODE // G)
    out = jnp.einsum('ngk,gkd->ngd', probs, cv).reshape(bsz, seq, D_CODE)
    return (out, perplexity)

if __name__ == "__main__":
    import jax
    _d = setup_inputs()
    print(jax.jit(kernel)(*tuple(_d.values())))

</pallas_src>

<mosaic_0001>
#map = affine_map<(d0, d1) -> (0, 0)>
module attributes {stable_mosaic.version = 14 : i64} {
  func.func @_sc_gather(%arg0: i32, %arg1: i32, %arg2: memref<640x128xf32, #tpu.memory_space<hbm>>, %arg3: memref<2x4096xi32, #tpu.memory_space<hbm>>, %arg4: memref<4096x256xf32, #tpu.memory_space<hbm>>, %arg5: memref<2x128xi32, #tpu.memory_space<vmem>>, %arg6: memref<2x128x128xf32, #tpu.memory_space<vmem>>, %arg7: memref<!tpu.dma_semaphore, #tpu.memory_space<semaphore_mem>>) attributes {dimension_semantics = [#tpu.dimension_semantics<core_parallel>, #tpu.dimension_semantics<subcore_parallel>], iteration_bounds = array<i64: 2, 16>, scalar_prefetch = 0 : i64, scratch_operands = 3 : i64, tpu.core_type = #tpu.core_type<sc_vector_subcore>, window_params = [{transform_indices = #map}, {transform_indices = #map}, {transform_indices = #map}]} {
    %mul3A = arith.constant 2 : i32
    %mul3A_0 = arith.muli %arg1, %mul3A : i32
    %add3A = arith.addi %mul3A_0, %arg0 : i32
    %mul3A_1 = arith.constant 128 : i32
    %mul3A_2 = arith.muli %add3A, %mul3A_1 : i32
    %run_scoped3A = arith.constant 0 : i32
    %run_scoped3A_3 = arith.constant 0 : i32
    "tpu.region"() ({
      %run_scoped3A_54 = tpu.sem_alloc : memref<!tpu.dma_semaphore, #tpu.memory_space<semaphore_mem>>
      %dma_start3A_55 = arith.constant 0 : i32
      %dma_start3A_56 = tpu.memref_slice %arg5[%run_scoped3A_3, %dma_start3A_55] : memref<2x128xi32, #tpu.memory_space<vmem>> -> memref<1x128xi32, #tpu.memory_space<vmem>>
      %dma_start3A_57 = tpu.memref_squeeze %dma_start3A_56 : memref<1x128xi32, #tpu.memory_space<vmem>> -> memref<128xi32, #tpu.memory_space<vmem>>
      %dma_start3A_58 = tpu.memref_slice %arg3[%run_scoped3A, %mul3A_2] : memref<2x4096xi32, #tpu.memory_space<hbm>> -> memref<1x128xi32, #tpu.memory_space<hbm>>
      %dma_start3A_59 = tpu.memref_squeeze %dma_start3A_58 : memref<1x128xi32, #tpu.memory_space<hbm>> -> memref<128xi32, #tpu.memory_space<hbm>>
      %dma_start3A_60 = arith.constant 0 : i32
      %dma_start3A_61 = tpu.memref_slice %arg5[%run_scoped3A_3, %dma_start3A_60] : memref<2x128xi32, #tpu.memory_space<vmem>> -> memref<1x128xi32, #tpu.memory_space<vmem>>
      %dma_start3A_62 = tpu.memref_squeeze %dma_start3A_61 : memref<1x128xi32, #tpu.memory_space<vmem>> -> memref<128xi32, #tpu.memory_space<vmem>>
      %dma_start3A_63 = tpu.memref_slice %arg3[%run_scoped3A, %mul3A_2] : memref<2x4096xi32, #tpu.memory_space<hbm>> -> memref<1x128xi32, #tpu.memory_space<hbm>>
      %dma_start3A_64 = tpu.memref_squeeze %dma_start3A_63 : memref<1x128xi32, #tpu.memory_space<hbm>> -> memref<128xi32, #tpu.memory_space<hbm>>
      tpu.enqueue_dma source(%dma_start3A_64 : memref<128xi32, #tpu.memory_space<hbm>>) target(%dma_start3A_62 : memref<128xi32, #tpu.memory_space<vmem>>) target_semaphore(%run_scoped3A_54 : memref<!tpu.dma_semaphore, #tpu.memory_space<semaphore_mem>>)
      %dma_wait3A_65 = arith.constant 0 : i32
      %dma_wait3A_66 = tpu.memref_slice %arg5[%run_scoped3A_3, %dma_wait3A_65] : memref<2x128xi32, #tpu.memory_space<vmem>> -> memref<1x128xi32, #tpu.memory_space<vmem>>
      %dma_wait3A_67 = tpu.memref_squeeze %dma_wait3A_66 : memref<1x128xi32, #tpu.memory_space<vmem>> -> memref<128xi32, #tpu.memory_space<vmem>>
      %dma_wait3A_68 = tpu.memref_slice %arg3[%run_scoped3A, %mul3A_2] : memref<2x4096xi32, #tpu.memory_space<hbm>> -> memref<1x128xi32, #tpu.memory_space<hbm>>
      %dma_wait3A_69 = tpu.memref_squeeze %dma_wait3A_68 : memref<1x128xi32, #tpu.memory_space<hbm>> -> memref<128xi32, #tpu.memory_space<hbm>>
      %dma_wait3A_70 = arith.constant 0 : i32
      %dma_wait3A_71 = tpu.memref_slice %arg5[%run_scoped3A_3, %dma_wait3A_70] : memref<2x128xi32, #tpu.memory_space<vmem>> -> memref<1x128xi32, #tpu.memory_space<vmem>>
      %dma_wait3A_72 = tpu.memref_squeeze %dma_wait3A_71 : memref<1x128xi32, #tpu.memory_space<vmem>> -> memref<128xi32, #tpu.memory_space<vmem>>
      %dma_wait3A_73 = tpu.memref_slice %arg3[%run_scoped3A, %mul3A_2] : memref<2x4096xi32, #tpu.memory_space<hbm>> -> memref<1x128xi32, #tpu.memory_space<hbm>>
      %dma_wait3A_74 = tpu.memref_squeeze %dma_wait3A_73 : memref<1x128xi32, #tpu.memory_space<hbm>> -> memref<128xi32, #tpu.memory_space<hbm>>
      tpu.wait_dma2 semaphore(%run_scoped3A_54 : memref<!tpu.dma_semaphore, #tpu.memory_space<semaphore_mem>>) src(%dma_wait3A_74 : memref<128xi32, #tpu.memory_space<hbm>>) dst(%dma_wait3A_72 : memref<128xi32, #tpu.memory_space<vmem>>)
      tpu.yield
    }) : () -> ()
    %run_scoped3A_4 = arith.constant 1 : i32
    %run_scoped3A_5 = arith.constant 1 : i32
    "tpu.region"() ({
      %run_scoped3A_54 = tpu.sem_alloc : memref<!tpu.dma_semaphore, #tpu.memory_space<semaphore_mem>>
      %dma_start3A_55 = arith.constant 0 : i32
      %dma_start3A_56 = tpu.memref_slice %arg5[%run_scoped3A_5, %dma_start3A_55] : memref<2x128xi32, #tpu.memory_space<vmem>> -> memref<1x128xi32, #tpu.memory_space<vmem>>
      %dma_start3A_57 = tpu.memref_squeeze %dma_start3A_56 : memref<1x128xi32, #tpu.memory_space<vmem>> -> memref<128xi32, #tpu.memory_space<vmem>>
      %dma_start3A_58 = tpu.memref_slice %arg3[%run_scoped3A_4, %mul3A_2] : memref<2x4096xi32, #tpu.memory_space<hbm>> -> memref<1x128xi32, #tpu.memory_space<hbm>>
      %dma_start3A_59 = tpu.memref_squeeze %dma_start3A_58 : memref<1x128xi32, #tpu.memory_space<hbm>> -> memref<128xi32, #tpu.memory_space<hbm>>
      %dma_start3A_60 = arith.constant 0 : i32
      %dma_start3A_61 = tpu.memref_slice %arg5[%run_scoped3A_5, %dma_start3A_60] : memref<2x128xi32, #tpu.memory_space<vmem>> -> memref<1x128xi32, #tpu.memory_space<vmem>>
      %dma_start3A_62 = tpu.memref_squeeze %dma_start3A_61 : memref<1x128xi32, #tpu.memory_space<vmem>> -> memref<128xi32, #tpu.memory_space<vmem>>
      %dma_start3A_63 = tpu.memref_slice %arg3[%run_scoped3A_4, %mul3A_2] : memref<2x4096xi32, #tpu.memory_space<hbm>> -> memref<1x128xi32, #tpu.memory_space<hbm>>
      %dma_start3A_64 = tpu.memref_squeeze %dma_start3A_63 : memref<1x128xi32, #tpu.memory_space<hbm>> -> memref<128xi32, #tpu.memory_space<hbm>>
      tpu.enqueue_dma source(%dma_start3A_64 : memref<128xi32, #tpu.memory_space<hbm>>) target(%dma_start3A_62 : memref<128xi32, #tpu.memory_space<vmem>>) target_semaphore(%run_scoped3A_54 : memref<!tpu.dma_semaphore, #tpu.memory_space<semaphore_mem>>)
      %dma_wait3A_65 = arith.constant 0 : i32
      %dma_wait3A_66 = tpu.memref_slice %arg5[%run_scoped3A_5, %dma_wait3A_65] : memref<2x128xi32, #tpu.memory_space<vmem>> -> memref<1x128xi32, #tpu.memory_space<vmem>>
      %dma_wait3A_67 = tpu.memref_squeeze %dma_wait3A_66 : memref<1x128xi32, #tpu.memory_space<vmem>> -> memref<128xi32, #tpu.memory_space<vmem>>
      %dma_wait3A_68 = tpu.memref_slice %arg3[%run_scoped3A_4, %mul3A_2] : memref<2x4096xi32, #tpu.memory_space<hbm>> -> memref<1x128xi32, #tpu.memory_space<hbm>>
      %dma_wait3A_69 = tpu.memref_squeeze %dma_wait3A_68 : memref<1x128xi32, #tpu.memory_space<hbm>> -> memref<128xi32, #tpu.memory_space<hbm>>
      %dma_wait3A_70 = arith.constant 0 : i32
      %dma_wait3A_71 = tpu.memref_slice %arg5[%run_scoped3A_5, %dma_wait3A_70] : memref<2x128xi32, #tpu.memory_space<vmem>> -> memref<1x128xi32, #tpu.memory_space<vmem>>
      %dma_wait3A_72 = tpu.memref_squeeze %dma_wait3A_71 : memref<1x128xi32, #tpu.memory_space<vmem>> -> memref<128xi32, #tpu.memory_space<vmem>>
      %dma_wait3A_73 = tpu.memref_slice %arg3[%run_scoped3A_4, %mul3A_2] : memref<2x4096xi32, #tpu.memory_space<hbm>> -> memref<1x128xi32, #tpu.memory_space<hbm>>
      %dma_wait3A_74 = tpu.memref_squeeze %dma_wait3A_73 : memref<1x128xi32, #tpu.memory_space<hbm>> -> memref<128xi32, #tpu.memory_space<hbm>>
      tpu.wait_dma2 semaphore(%run_scoped3A_54 : memref<!tpu.dma_semaphore, #tpu.memory_space<semaphore_mem>>) src(%dma_wait3A_74 : memref<128xi32, #tpu.memory_space<hbm>>) dst(%dma_wait3A_72 : memref<128xi32, #tpu.memory_space<vmem>>)
      tpu.yield
    }) : () -> ()
    %dma_start3A = arith.constant 0 : i32
    %dma_start3A_6 = arith.constant 0 : i32
    %dma_start3A_7 = arith.constant 0 : i32
    %dma_start3A_8 = arith.constant 0 : i32
    %dma_start3A_9 = tpu.memref_slice %arg6[%dma_start3A_6, %dma_start3A_7, %dma_start3A_8] : memref<2x128x128xf32, #tpu.memory_space<vmem>> -> memref<1x128x128xf32, #tpu.memory_space<vmem>>
    %dma_start3A_10 = tpu.memref_squeeze %dma_start3A_9 : memref<1x128x128xf32, #tpu.memory_space<vmem>> -> memref<128x128xf32, #tpu.memory_space<vmem>>
    %dma_start3A_11 = arith.constant 0 : i32
    %dma_start3A_12 = tpu.memref_slice %arg5[%dma_start3A, %dma_start3A_11] : memref<2x128xi32, #tpu.memory_space<vmem>> -> memref<1x128xi32, #tpu.memory_space<vmem>>
    %dma_start3A_13 = tpu.memref_squeeze %dma_start3A_12 : memref<1x128xi32, #tpu.memory_space<vmem>> -> memref<128xi32, #tpu.memory_space<vmem>>
    %dma_start3A_14 = arith.constant 0 : i32
    %dma_start3A_15 = arith.constant 0 : i32
    %dma_start3A_16 = tpu.memref_slice %arg2[%dma_start3A_14, %dma_start3A_15] : memref<640x128xf32, #tpu.memory_space<hbm>> -> memref<640x128xf32, #tpu.memory_space<hbm>>
    tpu.enqueue_indirect_dma source(%dma_start3A_16 : memref<640x128xf32, #tpu.memory_space<hbm>>) target(%dma_start3A_10 : memref<128x128xf32, #tpu.memory_space<vmem>>) offsets(%dma_start3A_13 : memref<128xi32, #tpu.memory_space<vmem>>) semaphore(%arg7 : memref<!tpu.dma_semaphore, #tpu.memory_space<semaphore_mem>>)
    %dma_start3A_17 = arith.constant 1 : i32
    %dma_start3A_18 = arith.constant 1 : i32
    %dma_start3A_19 = arith.constant 0 : i32
    %dma_start3A_20 = arith.constant 0 : i32
    %dma_start3A_21 = tpu.memref_slice %arg6[%dma_start3A_18, %dma_start3A_19, %dma_start3A_20] : memref<2x128x128xf32, #tpu.memory_space<vmem>> -> memref<1x128x128xf32, #tpu.memory_space<vmem>>
    %dma_start3A_22 = tpu.memref_squeeze %dma_start3A_21 : memref<1x128x128xf32, #tpu.memory_space<vmem>> -> memref<128x128xf32, #tpu.memory_space<vmem>>
    %dma_start3A_23 = arith.constant 0 : i32
    %dma_start3A_24 = tpu.memref_slice %arg5[%dma_start3A_17, %dma_start3A_23] : memref<2x128xi32, #tpu.memory_space<vmem>> -> memref<1x128xi32, #tpu.memory_space<vmem>>
    %dma_start3A_25 = tpu.memref_squeeze %dma_start3A_24 : memref<1x128xi32, #tpu.memory_space<vmem>> -> memref<128xi32, #tpu.memory_space<vmem>>
    %dma_start3A_26 = arith.constant 0 : i32
    %dma_start3A_27 = arith.constant 0 : i32
    %dma_start3A_28 = tpu.memref_slice %arg2[%dma_start3A_26, %dma_start3A_27] : memref<640x128xf32, #tpu.memory_space<hbm>> -> memref<640x128xf32, #tpu.memory_space<hbm>>
    tpu.enqueue_indirect_dma source(%dma_start3A_28 : memref<640x128xf32, #tpu.memory_space<hbm>>) target(%dma_start3A_22 : memref<128x128xf32, #tpu.memory_space<vmem>>) offsets(%dma_start3A_25 : memref<128xi32, #tpu.memory_space<vmem>>) semaphore(%arg7 : memref<!tpu.dma_semaphore, #tpu.memory_space<semaphore_mem>>)
    %dma_wait3A = arith.constant 0 : i32
    %dma_wait3A_29 = arith.constant 0 : i32
    %dma_wait3A_30 = arith.constant 0 : i32
    %dma_wait3A_31 = arith.constant 0 : i32
    %dma_wait3A_32 = tpu.memref_slice %arg6[%dma_wait3A_29, %dma_wait3A_30, %dma_wait3A_31] : memref<2x128x128xf32, #tpu.memory_space<vmem>> -> memref<1x128x128xf32, #tpu.memory_space<vmem>>
    %dma_wait3A_33 = tpu.memref_squeeze %dma_wait3A_32 : memref<1x128x128xf32, #tpu.memory_space<vmem>> -> memref<128x128xf32, #tpu.memory_space<vmem>>
    %dma_wait3A_34 = arith.constant 0 : i32
    %dma_wait3A_35 = tpu.memref_slice %arg5[%dma_wait3A, %dma_wait3A_34] : memref<2x128xi32, #tpu.memory_space<vmem>> -> memref<1x128xi32, #tpu.memory_space<vmem>>
    %dma_wait3A_36 = tpu.memref_squeeze %dma_wait3A_35 : memref<1x128xi32, #tpu.memory_space<vmem>> -> memref<128xi32, #tpu.memory_space<vmem>>
    %dma_wait3A_37 = arith.constant 0 : i32
    %dma_wait3A_38 = arith.constant 0 : i32
    %dma_wait3A_39 = tpu.memref_slice %arg2[%dma_wait3A_37, %dma_wait3A_38] : memref<640x128xf32, #tpu.memory_space<hbm>> -> memref<640x128xf32, #tpu.memory_space<hbm>>
    tpu.wait_indirect_dma semaphore(%arg7 : memref<!tpu.dma_semaphore, #tpu.memory_space<semaphore_mem>>) src(%dma_wait3A_39 : memref<640x128xf32, #tpu.memory_space<hbm>>) dst(%dma_wait3A_33 : memref<128x128xf32, #tpu.memory_space<vmem>>)
    %dma_wait3A_40 = arith.constant 1 : i32
    %dma_wait3A_41 = arith.constant 1 : i32
    %dma_wait3A_42 = arith.constant 0 : i32
    %dma_wait3A_43 = arith.constant 0 : i32
    %dma_wait3A_44 = tpu.memref_slice %arg6[%dma_wait3A_41, %dma_wait3A_42, %dma_wait3A_43] : memref<2x128x128xf32, #tpu.memory_space<vmem>> -> memref<1x128x128xf32, #tpu.memory_space<vmem>>
    %dma_wait3A_45 = tpu.memref_squeeze %dma_wait3A_44 : memref<1x128x128xf32, #tpu.memory_space<vmem>> -> memref<128x128xf32, #tpu.memory_space<vmem>>
    %dma_wait3A_46 = arith.constant 0 : i32
    %dma_wait3A_47 = tpu.memref_slice %arg5[%dma_wait3A_40, %dma_wait3A_46] : memref<2x128xi32, #tpu.memory_space<vmem>> -> memref<1x128xi32, #tpu.memory_space<vmem>>
    %dma_wait3A_48 = tpu.memref_squeeze %dma_wait3A_47 : memref<1x128xi32, #tpu.memory_space<vmem>> -> memref<128xi32, #tpu.memory_space<vmem>>
    %dma_wait3A_49 = arith.constant 0 : i32
    %dma_wait3A_50 = arith.constant 0 : i32
    %dma_wait3A_51 = tpu.memref_slice %arg2[%dma_wait3A_49, %dma_wait3A_50] : memref<640x128xf32, #tpu.memory_space<hbm>> -> memref<640x128xf32, #tpu.memory_space<hbm>>
    tpu.wait_indirect_dma semaphore(%arg7 : memref<!tpu.dma_semaphore, #tpu.memory_space<semaphore_mem>>) src(%dma_wait3A_51 : memref<640x128xf32, #tpu.memory_space<hbm>>) dst(%dma_wait3A_45 : memref<128x128xf32, #tpu.memory_space<vmem>>)
    %run_scoped3A_52 = arith.constant 0 : i32
    "tpu.region"() ({
      %run_scoped3A_54 = tpu.sem_alloc : memref<!tpu.dma_semaphore, #tpu.memory_space<semaphore_mem>>
      %dma_start3A_55 = arith.constant 0 : i32
      %dma_start3A_56 = arith.constant 0 : i32
      %dma_start3A_57 = tpu.memref_slice %arg6[%run_scoped3A_52, %dma_start3A_55, %dma_start3A_56] : memref<2x128x128xf32, #tpu.memory_space<vmem>> -> memref<1x128x128xf32, #tpu.memory_space<vmem>>
      %dma_start3A_58 = tpu.memref_squeeze %dma_start3A_57 : memref<1x128x128xf32, #tpu.memory_space<vmem>> -> memref<128x128xf32, #tpu.memory_space<vmem>>
      %dma_start3A_59 = arith.constant 0 : i32
      %dma_start3A_60 = tpu.memref_slice %arg4[%mul3A_2, %dma_start3A_59] : memref<4096x256xf32, #tpu.memory_space<hbm>> -> memref<128x128xf32, #tpu.memory_space<hbm>>
      %dma_start3A_61 = arith.constant 0 : i32
      %dma_start3A_62 = tpu.memref_slice %arg4[%mul3A_2, %dma_start3A_61] : memref<4096x256xf32, #tpu.memory_space<hbm>> -> memref<128x128xf32, #tpu.memory_space<hbm>>
      %dma_start3A_63 = arith.constant 0 : i32
      %dma_start3A_64 = arith.constant 0 : i32
      %dma_start3A_65 = tpu.memref_slice %arg6[%run_scoped3A_52, %dma_start3A_63, %dma_start3A_64] : memref<2x128x128xf32, #tpu.memory_space<vmem>> -> memref<1x128x128xf32, #tpu.memory_space<vmem>>
      %dma_start3A_66 = tpu.memref_squeeze %dma_start3A_65 : memref<1x128x128xf32, #tpu.memory_space<vmem>> -> memref<128x128xf32, #tpu.memory_space<vmem>>
      tpu.enqueue_dma source(%dma_start3A_66 : memref<128x128xf32, #tpu.memory_space<vmem>>) target(%dma_start3A_62 : memref<128x128xf32, #tpu.memory_space<hbm>>) target_semaphore(%run_scoped3A_54 : memref<!tpu.dma_semaphore, #tpu.memory_space<semaphore_mem>>)
      %dma_wait3A_67 = arith.constant 0 : i32
      %dma_wait3A_68 = arith.constant 0 : i32
      %dma_wait3A_69 = tpu.memref_slice %arg6[%run_scoped3A_52, %dma_wait3A_67, %dma_wait3A_68] : memref<2x128x128xf32, #tpu.memory_space<vmem>> -> memref<1x128x128xf32, #tpu.memory_space<vmem>>
      %dma_wait3A_70 = tpu.memref_squeeze %dma_wait3A_69 : memref<1x128x128xf32, #tpu.memory_space<vmem>> -> memref<128x128xf32, #tpu.memory_space<vmem>>
      %dma_wait3A_71 = arith.constant 0 : i32
      %dma_wait3A_72 = tpu.memref_slice %arg4[%mul3A_2, %dma_wait3A_71] : memref<4096x256xf32, #tpu.memory_space<hbm>> -> memref<128x128xf32, #tpu.memory_space<hbm>>
      %dma_wait3A_73 = arith.constant 0 : i32
      %dma_wait3A_74 = tpu.memref_slice %arg4[%mul3A_2, %dma_wait3A_73] : memref<4096x256xf32, #tpu.memory_space<hbm>> -> memref<128x128xf32, #tpu.memory_space<hbm>>
      %dma_wait3A_75 = arith.constant 0 : i32
      %dma_wait3A_76 = arith.constant 0 : i32
      %dma_wait3A_77 = tpu.memref_slice %arg6[%run_scoped3A_52, %dma_wait3A_75, %dma_wait3A_76] : memref<2x128x128xf32, #tpu.memory_space<vmem>> -> memref<1x128x128xf32, #tpu.memory_space<vmem>>
      %dma_wait3A_78 = tpu.memref_squeeze %dma_wait3A_77 : memref<1x128x128xf32, #tpu.memory_space<vmem>> -> memref<128x128xf32, #tpu.memory_space<vmem>>
      tpu.wait_dma2 semaphore(%run_scoped3A_54 : memref<!tpu.dma_semaphore, #tpu.memory_space<semaphore_mem>>) src(%dma_wait3A_78 : memref<128x128xf32, #tpu.memory_space<vmem>>) dst(%dma_wait3A_74 : memref<128x128xf32, #tpu.memory_space<hbm>>)
      tpu.yield
    }) : () -> ()
    %run_scoped3A_53 = arith.constant 1 : i32
    "tpu.region"() ({
      %run_scoped3A_54 = tpu.sem_alloc : memref<!tpu.dma_semaphore, #tpu.memory_space<semaphore_mem>>
      %dma_start3A_55 = arith.constant 0 : i32
      %dma_start3A_56 = arith.constant 0 : i32
      %dma_start3A_57 = tpu.memref_slice %arg6[%run_scoped3A_53, %dma_start3A_55, %dma_start3A_56] : memref<2x128x128xf32, #tpu.memory_space<vmem>> -> memref<1x128x128xf32, #tpu.memory_space<vmem>>
      %dma_start3A_58 = tpu.memref_squeeze %dma_start3A_57 : memref<1x128x128xf32, #tpu.memory_space<vmem>> -> memref<128x128xf32, #tpu.memory_space<vmem>>
      %dma_start3A_59 = arith.constant 128 : i32
      %dma_start3A_60 = tpu.memref_slice %arg4[%mul3A_2, %dma_start3A_59] : memref<4096x256xf32, #tpu.memory_space<hbm>> -> memref<128x128xf32, #tpu.memory_space<hbm>>
      %dma_start3A_61 = arith.constant 128 : i32
      %dma_start3A_62 = tpu.memref_slice %arg4[%mul3A_2, %dma_start3A_61] : memref<4096x256xf32, #tpu.memory_space<hbm>> -> memref<128x128xf32, #tpu.memory_space<hbm>>
      %dma_start3A_63 = arith.constant 0 : i32
      %dma_start3A_64 = arith.constant 0 : i32
      %dma_start3A_65 = tpu.memref_slice %arg6[%run_scoped3A_53, %dma_start3A_63, %dma_start3A_64] : memref<2x128x128xf32, #tpu.memory_space<vmem>> -> memref<1x128x128xf32, #tpu.memory_space<vmem>>
      %dma_start3A_66 = tpu.memref_squeeze %dma_start3A_65 : memref<1x128x128xf32, #tpu.memory_space<vmem>> -> memref<128x128xf32, #tpu.memory_space<vmem>>
      tpu.enqueue_dma source(%dma_start3A_66 : memref<128x128xf32, #tpu.memory_space<vmem>>) target(%dma_start3A_62 : memref<128x128xf32, #tpu.memory_space<hbm>>) target_semaphore(%run_scoped3A_54 : memref<!tpu.dma_semaphore, #tpu.memory_space<semaphore_mem>>)
      %dma_wait3A_67 = arith.constant 0 : i32
      %dma_wait3A_68 = arith.constant 0 : i32
      %dma_wait3A_69 = tpu.memref_slice %arg6[%run_scoped3A_53, %dma_wait3A_67, %dma_wait3A_68] : memref<2x128x128xf32, #tpu.memory_space<vmem>> -> memref<1x128x128xf32, #tpu.memory_space<vmem>>
      %dma_wait3A_70 = tpu.memref_squeeze %dma_wait3A_69 : memref<1x128x128xf32, #tpu.memory_space<vmem>> -> memref<128x128xf32, #tpu.memory_space<vmem>>
      %dma_wait3A_71 = arith.constant 128 : i32
      %dma_wait3A_72 = tpu.memref_slice %arg4[%mul3A_2, %dma_wait3A_71] : memref<4096x256xf32, #tpu.memory_space<hbm>> -> memref<128x128xf32, #tpu.memory_space<hbm>>
      %dma_wait3A_73 = arith.constant 128 : i32
      %dma_wait3A_74 = tpu.memref_slice %arg4[%mul3A_2, %dma_wait3A_73] : memref<4096x256xf32, #tpu.memory_space<hbm>> -> memref<128x128xf32, #tpu.memory_space<hbm>>
      %dma_wait3A_75 = arith.constant 0 : i32
      %dma_wait3A_76 = arith.constant 0 : i32
      %dma_wait3A_77 = tpu.memref_slice %arg6[%run_scoped3A_53, %dma_wait3A_75, %dma_wait3A_76] : memref<2x128x128xf32, #tpu.memory_space<vmem>> -> memref<1x128x128xf32, #tpu.memory_space<vmem>>
      %dma_wait3A_78 = tpu.memref_squeeze %dma_wait3A_77 : memref<1x128x128xf32, #tpu.memory_space<vmem>> -> memref<128x128xf32, #tpu.memory_space<vmem>>
      tpu.wait_dma2 semaphore(%run_scoped3A_54 : memref<!tpu.dma_semaphore, #tpu.memory_space<semaphore_mem>>) src(%dma_wait3A_78 : memref<128x128xf32, #tpu.memory_space<vmem>>) dst(%dma_wait3A_74 : memref<128x128xf32, #tpu.memory_space<hbm>>)
      tpu.yield
    }) : () -> ()
    return
  }
}

module attributes {stable_mosaic.version = 14 : i64} {
  func.func @_tc_body(%arg0: i32, %arg1: memref<512x512xf32, #tpu.memory_space<vmem>>, %arg2: memref<512x640xf32, #tpu.memory_space<vmem>>, %arg3: memref<1x640xf32, #tpu.memory_space<vmem>>, %arg4: memref<320x1024xf32, #tpu.memory_space<vmem>>, %arg5: memref<2x512xi32, #tpu.memory_space<vmem>>, %arg6: memref<1x1xf32, #tpu.memory_space<vmem>>, %arg7: memref<1x640xf32, #tpu.memory_space<vmem>>) attributes {dimension_semantics = [#tpu.dimension_semantics<arbitrary>], iteration_bounds = array<i64: 8>, scalar_prefetch = 0 : i64, scratch_operands = 1 : i64, tpu.core_type = #tpu.core_type<tc>, window_params = [{transform_indices = @transform_0, window_bounds = array<i64: 512, 512>}, {pipeline_mode = #tpu.pipeline_mode<synchronous>, transform_indices = @transform_1, window_bounds = array<i64: 512, 640>}, {pipeline_mode = #tpu.pipeline_mode<synchronous>, transform_indices = @transform_2, window_bounds = array<i64: 1, 640>}, {transform_indices = @transform_3, window_bounds = array<i64: 320, 1024>}, {transform_indices = @transform_4, window_bounds = array<i64: 2, 512>}, {pipeline_mode = #tpu.pipeline_mode<synchronous>, transform_indices = @transform_5, window_bounds = array<i64: 1, 1>}]} {
    %get3A = arith.constant 0 : index
    %get3A_0 = arith.constant 0 : index
    %get3A_1 = vector.load %arg1[%get3A, %get3A_0] : memref<512x512xf32, #tpu.memory_space<vmem>>, vector<512x512xf32>
    %get3A_2 = arith.constant 0 : index
    %get3A_3 = arith.constant 0 : index
    %get3A_4 = vector.load %arg2[%get3A_2, %get3A_3] : memref<512x640xf32, #tpu.memory_space<vmem>>, vector<512x640xf32>
    %dot_general3A = arith.constant dense<0.000000e+00> : vector<512x640xf32>
    %dot_general3A_5 = tpu.matmul %get3A_1, %get3A_4, %dot_general3A {dimension_numbers = #tpu.dot_dimension_numbers<[1], [0], [0], [1], [0, 0, 1, 1], [], []>, transpose_lhs_hint = false} : vector<512x512xf32>, vector<512x640xf32>, vector<512x640xf32> -> vector<512x640xf32>
    %get3A_6 = arith.constant 0 : index
    %get3A_7 = arith.constant 0 : index
    %get3A_8 = vector.load %arg3[%get3A_6, %get3A_7] : memref<1x640xf32, #tpu.memory_space<vmem>>, vector<1x640xf32>
    %add3A = vector.broadcast %get3A_8 : vector<1x640xf32> to vector<512x640xf32>
    %add3A_9 = arith.addf %dot_general3A_5, %add3A : vector<512x640xf32>
    %get3A_10 = arith.constant 0 : index
    %get3A_11 = arith.constant 0 : index
    %get3A_12 = vector.load %arg4[%get3A_10, %get3A_11] : memref<320x1024xf32, #tpu.memory_space<vmem>>, vector<320x1024xf32>
    %log3A = math.log %get3A_12 : vector<320x1024xf32>
    %neg3A = arith.constant 0.000000e+00 : f32
    %neg3A_13 = vector.broadcast %neg3A : f32 to vector<320x1024xf32>
    %neg3A_14 = arith.subf %neg3A_13, %log3A : vector<320x1024xf32>
    %log3A_15 = math.log %neg3A_14 : vector<320x1024xf32>
    %neg3A_16 = arith.constant 0.000000e+00 : f32
    %neg3A_17 = vector.broadcast %neg3A_16 : f32 to vector<320x1024xf32>
    %neg3A_18 = arith.subf %neg3A_17, %log3A_15 : vector<320x1024xf32>
    %transpose3A = tpu.transpose %neg3A_18, [1, 0] : vector<320x1024xf32> -> vector<1024x320xf32>
    %reshape3A = vector.shape_cast %transpose3A : vector<1024x320xf32> to vector<512x2x320xf32>
    %iota3A = tpu.iota {dimensions = array<i32: 1>} : vector<512x320xi32>
    %slice3A = vector.extract_strided_slice %add3A_9 {offsets = [0, 0], sizes = [512, 320], strides = [1, 1]} : vector<512x640xf32> to vector<512x320xf32>
    %slice3A_19 = vector.extract_strided_slice %reshape3A {offsets = [0, 0, 0], sizes = [512, 1, 320], strides = [1, 1, 1]} : vector<512x2x320xf32> to vector<512x1x320xf32>
    %squeeze3A = vector.shape_cast %slice3A_19 : vector<512x1x320xf32> to vector<512x320xf32>
    %add3A_20 = arith.addf %slice3A, %squeeze3A : vector<512x320xf32>
    %reduce_max3A = arith.constant dense<0xFF800000> : vector<512xf32>
    %reduce_max3A_21 = vector.multi_reduction <maximumf>, %add3A_20, %reduce_max3A [1] : vector<512x320xf32> to vector<512xf32>
    %broadcast_in_dim3A = vector.shape_cast %reduce_max3A_21 : vector<512xf32> to vector<512x1xf32>
    %ge3A = vector.broadcast %broadcast_in_dim3A : vector<512x1xf32> to vector<512x320xf32>
    %ge3A_22 = arith.cmpf oge, %add3A_20, %ge3A : vector<512x320xf32>
    %jit3A = arith.constant 320 : i32
    %broadcast_in_dim3A_23 = vector.broadcast %jit3A : i32 to vector<512x320xi32>
    %select_n3A = arith.select %ge3A_22, %iota3A, %broadcast_in_dim3A_23 : vector<512x320xi1>, vector<512x320xi32>
    %reduce_min3A = arith.constant dense<2147483647> : vector<512xi32>
    %reduce_min3A_24 = vector.multi_reduction <minsi>, %select_n3A, %reduce_min3A [1] : vector<512x320xi32> to vector<512xi32>
    %broadcast_in_dim3A_25 = vector.shape_cast %reduce_min3A_24 : vector<512xi32> to vector<512x1xi32>
    %slice3A_26 = vector.extract_strided_slice %add3A_9 {offsets = [0, 320], sizes = [512, 320], strides = [1, 1]} : vector<512x640xf32> to vector<512x320xf32>
    %slice3A_27 = vector.extract_strided_slice %reshape3A {offsets = [0, 1, 0], sizes = [512, 1, 320], strides = [1, 1, 1]} : vector<512x2x320xf32> to vector<512x1x320xf32>
    %squeeze3A_28 = vector.shape_cast %slice3A_27 : vector<512x1x320xf32> to vector<512x320xf32>
    %add3A_29 = arith.addf %slice3A_26, %squeeze3A_28 : vector<512x320xf32>
    %reduce_max3A_30 = arith.constant dense<0xFF800000> : vector<512xf32>
    %reduce_max3A_31 = vector.multi_reduction <maximumf>, %add3A_29, %reduce_max3A_30 [1] : vector<512x320xf32> to vector<512xf32>
    %broadcast_in_dim3A_32 = vector.shape_cast %reduce_max3A_31 : vector<512xf32> to vector<512x1xf32>
    %ge3A_33 = vector.broadcast %broadcast_in_dim3A_32 : vector<512x1xf32> to vector<512x320xf32>
    %ge3A_34 = arith.cmpf oge, %add3A_29, %ge3A_33 : vector<512x320xf32>
    %jit3A_35 = arith.constant 320 : i32
    %broadcast_in_dim3A_36 = vector.broadcast %jit3A_35 : i32 to vector<512x320xi32>
    %select_n3A_37 = arith.select %ge3A_34, %iota3A, %broadcast_in_dim3A_36 : vector<512x320xi1>, vector<512x320xi32>
    %reduce_min3A_38 = arith.constant dense<2147483647> : vector<512xi32>
    %reduce_min3A_39 = vector.multi_reduction <minsi>, %select_n3A_37, %reduce_min3A_38 [1] : vector<512x320xi32> to vector<512xi32>
    %broadcast_in_dim3A_40 = vector.shape_cast %reduce_min3A_39 : vector<512xi32> to vector<512x1xi32>
    %add3A_41 = arith.constant 320 : i32
    %add3A_42 = vector.broadcast %add3A_41 : i32 to vector<512x1xi32>
    %add3A_43 = arith.addi %broadcast_in_dim3A_40, %add3A_42 : vector<512x1xi32>
    %concatenate3A = tpu.concatenate %broadcast_in_dim3A_25, %add3A_43 in 1 : vector<512x1xi32>, vector<512x1xi32> -> vector<512x2xi32>
    %transpose3A_44 = tpu.transpose %concatenate3A, [1, 0] : vector<512x2xi32> -> vector<2x512xi32>
    %swap3A = arith.constant 0 : index
    %swap3A_45 = arith.constant 0 : index
    %swap3A_46 = vector.load %arg5[%swap3A, %swap3A_45] : memref<2x512xi32, #tpu.memory_space<vmem>>, vector<2x512xi32>
    tpu.vector_store %arg5[%swap3A, %swap3A_45], %transpose3A_44 {strides = array<i32>} : memref<2x512xi32, #tpu.memory_space<vmem>>, vector<2x512xi32>,
    %slice3A_47 = vector.extract_strided_slice %add3A_9 {offsets = [0, 0], sizes = [512, 320], strides = [1, 1]} : vector<512x640xf32> to vector<512x320xf32>
    %exp3A = math.exp %slice3A_47 : vector<512x320xf32>
    %reduce_sum3A = arith.constant dense<0.000000e+00> : vector<512xf32>
    %reduce_sum3A_48 = vector.multi_reduction <add>, %exp3A, %reduce_sum3A [1] : vector<512x320xf32> to vector<512xf32>
    %broadcast_in_dim3A_49 = vector.shape_cast %reduce_sum3A_48 : vector<512xf32> to vector<512x1xf32>
    %div3A = vector.broadcast %broadcast_in_dim3A_49 : vector<512x1xf32> to vector<512x320xf32>
    %div3A_50 = arith.divf %exp3A, %div3A : vector<512x320xf32>
    %slice3A_51 = vector.extract_strided_slice %add3A_9 {offsets = [0, 320], sizes = [512, 320], strides = [1, 1]} : vector<512x640xf32> to vector<512x320xf32>
    %exp3A_52 = math.exp %slice3A_51 : vector<512x320xf32>
    %reduce_sum3A_53 = arith.constant dense<0.000000e+00> : vector<512xf32>
    %reduce_sum3A_54 = vector.multi_reduction <add>, %exp3A_52, %reduce_sum3A_53 [1] : vector<512x320xf32> to vector<512xf32>
    %broadcast_in_dim3A_55 = vector.shape_cast %reduce_sum3A_54 : vector<512xf32> to vector<512x1xf32>
    %div3A_56 = vector.broadcast %broadcast_in_dim3A_55 : vector<512x1xf32> to vector<512x320xf32>
    %div3A_57 = arith.divf %exp3A_52, %div3A_56 : vector<512x320xf32>
    %reduce_sum3A_58 = arith.constant dense<0.000000e+00> : vector<320xf32>
    %reduce_sum3A_59 = vector.multi_reduction <add>, %div3A_50, %reduce_sum3A_58 [0] : vector<512x320xf32> to vector<320xf32>
    %broadcast_in_dim3A_60 = vector.shape_cast %reduce_sum3A_59 : vector<320xf32> to vector<1x320xf32>
    %reduce_sum3A_61 = arith.constant dense<0.000000e+00> : vector<320xf32>
    %reduce_sum3A_62 = vector.multi_reduction <add>, %div3A_57, %reduce_sum3A_61 [0] : vector<512x320xf32> to vector<320xf32>
    %broadcast_in_dim3A_63 = vector.shape_cast %reduce_sum3A_62 : vector<320xf32> to vector<1x320xf32>
    %concatenate3A_64 = tpu.concatenate %broadcast_in_dim3A_60, %broadcast_in_dim3A_63 in 1 : vector<1x320xf32>, vector<1x320xf32> -> vector<1x640xf32>
    %eq3A = arith.constant 0 : i32
    %eq3A_65 = arith.cmpi eq, %arg0, %eq3A : i32
    %convert_element_type3A = arith.extui %eq3A_65 : i1 to i32
    %cond3A = arith.constant 0 : i32
    %cond3A_66 = arith.cmpi ne, %convert_element_type3A, %cond3A : i32
    scf.if %cond3A_66 {
      %swap3A_76 = arith.constant 0 : index
      %swap3A_77 = arith.constant 0 : index
      %swap3A_78 = vector.load %arg7[%swap3A_76, %swap3A_77] : memref<1x640xf32, #tpu.memory_space<vmem>>, vector<1x640xf32>
      tpu.vector_store %arg7[%swap3A_76, %swap3A_77], %concatenate3A_64 {strides = array<i32>} : memref<1x640xf32, #tpu.memory_space<vmem>>, vector<1x640xf32>,
    } else {
    }
    %gt3A = arith.constant 0 : i32
    %gt3A_67 = arith.cmpi sgt, %arg0, %gt3A : i32
    %convert_element_type3A_68 = arith.extui %gt3A_67 : i1 to i32
    %cond3A_69 = arith.constant 0 : i32
    %cond3A_70 = arith.cmpi ne, %convert_element_type3A_68, %cond3A_69 : i32
    scf.if %cond3A_70 {
      %get3A_76 = arith.constant 0 : index
      %get3A_77 = arith.constant 0 : index
      %get3A_78 = vector.load %arg7[%get3A_76, %get3A_77] : memref<1x640xf32, #tpu.memory_space<vmem>>, vector<1x640xf32>
      %add3A_79 = arith.addf %get3A_78, %concatenate3A_64 : vector<1x640xf32>
      %swap3A_80 = arith.constant 0 : index
      %swap3A_81 = arith.constant 0 : index
      %swap3A_82 = vector.load %arg7[%swap3A_80, %swap3A_81] : memref<1x640xf32, #tpu.memory_space<vmem>>, vector<1x640xf32>
      tpu.vector_store %arg7[%swap3A_80, %swap3A_81], %add3A_79 {strides = array<i32>} : memref<1x640xf32, #tpu.memory_space<vmem>>, vector<1x640xf32>,
    } else {
    }
    %eq3A_71 = arith.constant 7 : i32
    %eq3A_72 = arith.cmpi eq, %arg0, %eq3A_71 : i32
    %convert_element_type3A_73 = arith.extui %eq3A_72 : i1 to i32
    %cond3A_74 = arith.constant 0 : i32
    %cond3A_75 = arith.cmpi ne, %convert_element_type3A_73, %cond3A_74 : i32
    scf.if %cond3A_75 {
      %get3A_76 = arith.constant 0 : index
      %get3A_77 = arith.constant 0 : index
      %get3A_78 = vector.load %arg7[%get3A_76, %get3A_77] : memref<1x640xf32, #tpu.memory_space<vmem>>, vector<1x640xf32>
      %div3A_79 = arith.constant 4.096000e+03 : f32
      %div3A_80 = vector.broadcast %div3A_79 : f32 to vector<1x640xf32>
      %div3A_81 = arith.divf %get3A_78, %div3A_80 : vector<1x640xf32>
      %add3A_82 = arith.constant 1.000000e-07 : f32
      %add3A_83 = vector.broadcast %add3A_82 : f32 to vector<1x640xf32>
      %add3A_84 = arith.addf %div3A_81, %add3A_83 : vector<1x640xf32>
      %log3A_85 = math.log %add3A_84 : vector<1x640xf32>
      %mul3A = arith.mulf %div3A_81, %log3A_85 : vector<1x640xf32>
      %slice3A_86 = vector.extract_strided_slice %mul3A {offsets = [0, 0], sizes = [1, 320], strides = [1, 1]} : vector<1x640xf32> to vector<1x320xf32>
      %reduce_sum3A_87 = vector.shape_cast %slice3A_86 : vector<1x320xf32> to vector<1x1x320xf32>
      %reduce_sum3A_88 = arith.constant dense<0.000000e+00> : vector<1xf32>
      %reduce_sum3A_89 = vector.multi_reduction <add>, %reduce_sum3A_87, %reduce_sum3A_88 [1, 2] : vector<1x1x320xf32> to vector<1xf32>
      %reduce_sum3A_90 = vector.shape_cast %reduce_sum3A_89 : vector<1xf32> to vector<1x1x1xf32>
      %reduce_sum3A_91 = vector.extract %reduce_sum3A_90[0, 0, 0] : f32 from vector<1x1x1xf32>
      %broadcast_in_dim3A_92 = vector.broadcast %reduce_sum3A_91 : f32 to vector<1x1xf32>
      %neg3A_93 = arith.constant 0.000000e+00 : f32
      %neg3A_94 = vector.broadcast %neg3A_93 : f32 to vector<1x1xf32>
      %neg3A_95 = arith.subf %neg3A_94, %broadcast_in_dim3A_92 : vector<1x1xf32>
      %exp3A_96 = math.exp %neg3A_95 : vector<1x1xf32>
      %slice3A_97 = vector.extract_strided_slice %mul3A {offsets = [0, 320], sizes = [1, 320], strides = [1, 1]} : vector<1x640xf32> to vector<1x320xf32>
      %reduce_sum3A_98 = vector.shape_cast %slice3A_97 : vector<1x320xf32> to vector<1x1x320xf32>
      %reduce_sum3A_99 = arith.constant dense<0.000000e+00> : vector<1xf32>
      %reduce_sum3A_100 = vector.multi_reduction <add>, %reduce_sum3A_98, %reduce_sum3A_99 [1, 2] : vector<1x1x320xf32> to vector<1xf32>
      %reduce_sum3A_101 = vector.shape_cast %reduce_sum3A_100 : vector<1xf32> to vector<1x1x1xf32>
      %reduce_sum3A_102 = vector.extract %reduce_sum3A_101[0, 0, 0] : f32 from vector<1x1x1xf32>
      %broadcast_in_dim3A_103 = vector.broadcast %reduce_sum3A_102 : f32 to vector<1x1xf32>
      %neg3A_104 = arith.constant 0.000000e+00 : f32
      %neg3A_105 = vector.broadcast %neg3A_104 : f32 to vector<1x1xf32>
      %neg3A_106 = arith.subf %neg3A_105, %broadcast_in_dim3A_103 : vector<1x1xf32>
      %exp3A_107 = math.exp %neg3A_106 : vector<1x1xf32>
      %add3A_108 = arith.addf %exp3A_96, %exp3A_107 : vector<1x1xf32>
      %swap3A_109 = arith.constant 0 : index
      %swap3A_110 = arith.constant 0 : index
      %swap3A_111 = vector.load %arg6[%swap3A_109, %swap3A_110] : memref<1x1xf32, #tpu.memory_space<vmem>>, vector<1x1xf32>
      tpu.vector_store %arg6[%swap3A_109, %swap3A_110], %add3A_108 {strides = array<i32>} : memref<1x1xf32, #tpu.memory_space<vmem>>, vector<1x1xf32>,
    } else {
    }
    return
  }
  func.func @transform_0(%arg0: i32) -> (i32, i32) {
    %c0_i32 = arith.constant 0 : i32
    %c0_i32_0 = arith.constant 0 : i32
    return %arg0, %c0_i32 : i32, i32
  }
  func.func @transform_1(%arg0: i32) -> (i32, i32) {
    %c0_i32 = arith.constant 0 : i32
    %c0_i32_0 = arith.constant 0 : i32
    %c0_i32_1 = arith.constant 0 : i32
    return %c0_i32, %c0_i32_0 : i32, i32
  }
  func.func @transform_2(%arg0: i32) -> (i32, i32) {
    %c0_i32 = arith.constant 0 : i32
    %c0_i32_0 = arith.constant 0 : i32
    %c0_i32_1 = arith.constant 0 : i32
    return %c0_i32, %c0_i32_0 : i32, i32
  }
  func.func @transform_3(%arg0: i32) -> (i32, i32) {
    %c0_i32 = arith.constant 0 : i32
    %c0_i32_0 = arith.constant 0 : i32
    return %c0_i32, %arg0 : i32, i32
  }
  func.func @transform_4(%arg0: i32) -> (i32, i32) {
    %c0_i32 = arith.constant 0 : i32
    %c0_i32_0 = arith.constant 0 : i32
    return %c0_i32, %arg0 : i32, i32
  }
  func.func @transform_5(%arg0: i32) -> (i32, i32) {
    %c0_i32 = arith.constant 0 : i32
    %c0_i32_0 = arith.constant 0 : i32
    %c0_i32_1 = arith.constant 0 : i32
    return %c0_i32, %c0_i32_0 : i32, i32
  }
}

</mosaic_0001>

<sc_bundles>
// kernel: kernel.4.cloned.1.call-start
scs
__scs_entry_jumppad:
0x0: {  	(pc) =	sbr.rel $0x88, $3  }
0x1: {  	(tag) =	ssettag $0x0;
	lr =	simm.s32 $0x1  }
0x2: {  	[smem:$0x3F9C] =	sst lr;
	_ =	strace $0xD0000000  }
0x3: {  	_ = 	snop  }
0x4: {  	_ = 	snop  }
0x5: {  	_ = 	snop  }
0x6: {  	_ = 	snop  }
0x7: {  	_ = 	snop  }
__scs_overlays_trampoline_lowered:
0x8: {  	[smem:$0x3FAB] =	sst s0  }
0x9: {  	[smem:$0x3FAC] =	sst s1  }
0xa: {  	[smem:$0x3FAD] =	sst s2  }
0xb: {  	[smem:$0x3FAE] =	sst s3  }
0xc: {  	[smem:$0x3FAF] =	sst s4  }
0xd: {  	[smem:$0x3FB0] =	sst s5  }
0xe: {  	[smem:$0x3FB1] =	sst s6  }
0xf: {  	[smem:$0x3FB2] =	sst s7  }
0x10: {  	[smem:$0x3FB3] =	sst s8  }
0x11: {  	[smem:$0x3FB4] =	sst s9;
	s0 =	simm.s32 @!p0 $0x0  }
0x12: {  	s1 =	sld [smem:$0x3F9A];
	s0 =	simm.s32 @p0 $0x1  }
0x13: {  	[smem:$0x3FB5] =	sst s0;
	s0 =	simm.s32 @!p1 $0x0  }
0x14: {  	s2 =	sld [smem:$0x3F99];
	s0 =	simm.s32 @p1 $0x1  }
0x15: {  	[smem:$0x3FB6] =	sst s0;
	s0 =	simm.s32 @!p2 $0x0  }
0x16: {  	s3 =	sld [smem:$0x3FDB];
	s0 =	simm.s32 @p2 $0x1  }
0x17: {  	s4 =	simm.s32 $0x1BF5;
	[smem:$0x3FB8] =	sst s0  }
0x18: {  	s0 =	sld [smem:$0x3F9B];
	_ =	swait.ge [sflag:s4], $0x0  }
0x19: {  	s7 =	sld [smem:$0x3F9C]  }
0x1a: {  	s8 =	sadd.s32 $0xFFFFE003, lr  }
0x1b: {  	s9 =	sadd.s32 $0xFFFFFEF7, lr;
	s5 =	simm.s32 $0xFFFFFFFF;
	p2 =	slt.u32 s8, $0xFFFFF086  }
0x1c: {  	p1 =	slt.u32 s9, $0xF7A;
	s5 =	simm.s32 @!p2 $0x0  }
0x1d: {  	s5 =	simm.s32 @p1 $0x1;
	p0 =	seq.s32 s7, s2  }
0x1e: {  	s7 =	smul.u32 @!p0 $0xF7A, s2;
	p2 =	seq.s32 @!p0 s5, $0x0  }
0x1f: {  	s9 =	smul.u32 $0xF7A, s1;
	s8 =	simm.s32 @!p0 $0x1BF5;
	p2 =	por !p2, p0  }
0x20: {  	[sflag:s8] =	ssyncset.s32 @!p0 $0xFFFFF086;
	s6 =	sadd.s32 @!p0 s3, s7;
	s7 =	simm.s32 @!p0 $0x108  }
0x21: {  	s3 =	sadd.s32 s3, s9;
	s6 =	sadd.s32 @!p0 $0x88, s6;
	s7 =	simm.s32 @p2 $0x1082  }
0x22: {  	[simem:s7], [sflag:s8] =	dma.local @!p0 [hbm:s6], $0xF7A  }
0x23: {  	s9 =	sor.u32 $0xD0000000, s2;
	s6 =	simm.s32 $0x108;
	_ =	swait.ge @!p0 [sflag:s8], $0x0  }
0x24: {  	s3 =	sadd.s32 $0x88, s3;
	s6 =	simm.s32 @!p1 $0x1082;
	[sflag:s4] =	ssyncset.s32 $0xFFFFF086  }
0x25: {  	[simem:s6], [sflag:s4] =	dma.local [hbm:s3], $0xF7A  }
0x26: {  	[smem:$0x3F9C] =	sst s1;
	(tag) =	ssettag s2;
	_ =	strace s9  }
0x27: {  	s1 =	sld [smem:$0x3FAC]  }
0x28: {  	s2 =	sld [smem:$0x3FAD]  }
0x29: {  	s4 =	sld [smem:$0x3FAF]  }
0x2a: {  	p0 =	seq.s32 s5, $0x0;
	s5 =	sld [smem:$0x3FB0]  }
0x2b: {  	s6 =	sld [smem:$0x3FB1]  }
0x2c: {  	s7 =	sld [smem:$0x3FB2]  }
0x2d: {  	s3 =	simm.s32 $0x108;
	s8 =	sld [smem:$0x3FB3]  }
0x2e: {  	s3 =	simm.s32 @!p0 $0x1082;
	s9 =	sld [smem:$0x3FB4]  }
0x2f: {  	lr =	sadd.s32 s0, s3;
	s0 =	sld [smem:$0x3FAB]  }
0x30: {  	s3 =	sld [smem:$0x3FAE]  }
0x31: {  	[smem:$0x3FB7] =	sst s10  }
0x32: {  	s10 =	sld [smem:$0x3FB5];
	_ =	sdelay $0x3  }
0x33: {  	p0 =	seq.s32 s10, $0x1;
	s10 =	sld [smem:$0x3FB7];
	_ =	sdelay $0x3  }
0x34: {  	[smem:$0x3FB7] =	sst s10  }
0x35: {  	s10 =	sld [smem:$0x3FB6];
	_ =	sdelay $0x3  }
0x36: {  	p1 =	seq.s32 s10, $0x1;
	s10 =	sld [smem:$0x3FB7];
	_ =	sdelay $0x3  }
0x37: {  	[smem:$0x3FB7] =	sst s10  }
0x38: {  	s10 =	sld [smem:$0x3FB8]  }
0x39: {  	_ = 	snop;
	(pc) =	sbr.ind lr, $3  }
0x3a: {  	_ = 	snop  }
0x3b: {  	_ = 	snop  }
0x3c: {  	p2 =	seq.s32 s10, $0x1;
	s10 =	sld [smem:$0x3FB7]  }
0x3d: {  	_ =	shalt  }
0x3e: {  	_ =	shalt  }
0x3f: {  	_ =	shalt  }
0x40: {  	_ =	shalt  }
0x41: {  	_ =	shalt  }
0x42: {  	_ =	shalt  }
0x43: {  	_ =	shalt  }
0x44: {  	_ =	shalt  }
0x45: {  	_ =	shalt  }
0x46: {  	_ =	shalt  }
0x47: {  	_ =	shalt  }
0x48: {  	_ =	shalt  }
0x49: {  	_ =	shalt  }
0x4a: {  	_ =	shalt  }
0x4b: {  	_ =	shalt  }
0x4c: {  	_ =	shalt  }
0x4d: {  	_ =	shalt  }
0x4e: {  	_ =	shalt  }
0x4f: {  	_ =	shalt  }
0x50: {  	_ =	shalt  }
0x51: {  	_ =	shalt  }
0x52: {  	_ =	shalt  }
0x53: {  	_ =	shalt  }
0x54: {  	_ =	shalt  }
0x55: {  	_ =	shalt  }
0x56: {  	_ =	shalt  }
0x57: {  	_ =	shalt  }
0x58: {  	_ =	shalt  }
0x59: {  	_ =	shalt  }
0x5a: {  	_ =	shalt  }
0x5b: {  	_ =	shalt  }
0x5c: {  	_ =	shalt  }
0x5d: {  	_ =	shalt  }
0x5e: {  	_ =	shalt  }
0x5f: {  	_ =	shalt  }
0x60: {  	_ =	shalt  }
0x61: {  	_ =	shalt  }
0x62: {  	_ =	shalt  }
0x63: {  	_ =	shalt  }
0x64: {  	_ =	shalt  }
0x65: {  	_ =	shalt  }
0x66: {  	_ =	shalt  }
0x67: {  	_ =	shalt  }
0x68: {  	_ =	shalt  }
0x69: {  	_ =	shalt  }
0x6a: {  	_ =	shalt  }
0x6b: {  	_ =	shalt  }
0x6c: {  	_ =	shalt  }
0x6d: {  	_ =	shalt  }
0x6e: {  	_ =	shalt  }
0x6f: {  	_ =	shalt  }
0x70: {  	_ =	shalt  }
0x71: {  	_ =	shalt  }
0x72: {  	_ =	shalt  }
0x73: {  	_ =	shalt  }
0x74: {  	_ =	shalt  }
0x75: {  	_ =	shalt  }
0x76: {  	_ =	shalt  }
0x77: {  	_ =	shalt  }
0x78: {  	_ =	shalt  }
0x79: {  	_ =	shalt  }
0x7a: {  	_ =	shalt  }
0x7b: {  	_ =	shalt  }
0x7c: {  	_ =	shalt  }
0x7d: {  	_ =	shalt  }
0x7e: {  	_ =	shalt  }
0x7f: {  	_ =	shalt  }
0x80: {  	_ =	shalt  }
0x81: {  	_ =	shalt  }
0x82: {  	_ =	shalt  }
0x83: {  	_ =	shalt  }
0x84: {  	_ =	shalt  }
0x85: {  	_ =	shalt  }
0x86: {  	_ =	shalt  }
0x87: {  	_ =	shalt  }
.Lfunc_end0:
.L_simem_size_0:
called_computation_lowered:
.L_overlay_start_0:
0x88: {  	s2 =	sld [smem:$0x3FD9]  }
0x89: {  	s3 =	sld [smem:$0x3FFE];
	_ =	sdelay $0x1  }
0x8a: {  	s1 =	srdreg.scid  }
0x8b: {  	s0 =	sand.u32 $0x1, s1  }
0x8c: {  	s14 =	sshll.u32 s0, $0xA;
	s2 =	sadd.s32 s3, s2  }
0x8d: {  	s2 =	sadd.s32 s2, s14  }
0x8e: {  	[smem:$0x3FC3] =	sst s2  }
0x8f: {  	_ = 	snop  }
0x90: {  	s2 =	sld [smem:$0x3FD0];
	_ =	sdelay $0x2  }
0x91: {  	s4 =	simm.s32 $0xA;
	s5 =	simm.s32 $0x10;
	s15 =	sld [smem:$0x3FC5]  }
0x92: {  	[smem:s5], [sflag:s4] =	dma.local [hbm:s2], $0x1  }
0x93: {  	_ =	swait.eq [sflag:s4], $0x1  }
0x94: {  	[sflag:s4] =	ssyncset.done $0x0  }
0x95: {  	[sflag:s4] =	ssyncadd.s32 $0xFFFFFFFF  }
0x96: {  	s16 =	sld [smem:$0x10];
	(tm) =	ssettm $0x1  }
0x97: {  	s17 =	sld [smem:$0x3FFB];
	_ =	sdelay $0x3  }
0x98: {  	_ =	strace s17  }
0x99: {  	s4 =	sld [smem:$0x3FFC];
	_ =	sdelay $0x3  }
0x9a: {  	_ =	strace s4  }
0x9b: {  	s4 =	sld [smem:$0x3FFD];
	_ =	sdelay $0x3  }
0x9c: {  	_ =	strace s4  }
0x9d: {  	_ =	strace $0x8FFFFFFF  }
0x9e: {  	s18 =	sld [smem:$0x3FDB];
	_ =	sdelay $0x1  }
0x9f: {  	s19 =	simm.s32 $_scs_section_size  }
0xa0: {  	s6 =	simm.s32 $_size__tile_overlayer_lowered;
	s7 =	simm.s32 $_tile_overlayer_lowered  }
0xa1: {  	s22 =	simm.s32 $0x1BFF;
	s21 =	sshll.u32 s7, $0x1;
	s4 =	sadd.s32 s19, s18  }
0xa2: {  	s8 =	simm.s32 $0x0;
	s20 =	sshll.u32 s6, $0x1;
	s6 =	sadd.s32 s21, s4  }
0xa3: {  	[timem:s8], [sflag:s22] =	dma.local [hbm:s6], s20  }
0xa4: {  	_ =	swait.ge [sflag:s22], s20  }
0xa5: {  	s5 =	ssub.s32 $0x0, s20;
	[sflag:s22] =	ssyncset.done $0x0  }
0xa6: {  	[sflag:s22] =	ssyncadd.s32 s5;
	_ =	sdelay $0x1  }
0xa7: {  	s23 =	simm.s32 $0x1B8B  }
0xa8: {  	_ =	swait.ge [sflag:s23], $0x1  }
0xa9: {  	[sflag:s23] =	ssyncset.done $0x0  }
0xaa: {  	s25 =	simm.s32 $0x1B8E;
	s24 =	sld [smem:$0x3FFE];
	[sflag:s23] =	ssyncadd.s32 $0xFFFFFFFF  }
0xab: {  	s26 =	simm.s32 $execute0_lowered;
	[smem:$0x3FD2] =	sst s25  }
0xac: {  	s6 =	sshll.u32 s26, $0x1;
	_ =	strace $0x80000046;
	[dreg:$0x1] =	wrdreg $0xFFFFFFFF  }
0xad: {  	s28 =	simm.s32 $_size_execute0_lowered;
	s4 =	sadd.s32 s4, s6;
	[dreg:$0x0] =	wrdreg $0x0  }
0xae: {  	s6 =	sshll.u32 s28, $0x1;
	[dreg:$0x2] =	wrdreg s4  }
0xaf: {  	[dreg:$0x3] =	wrdreg s6  }
0xb0: {  	[dreg:$0x4] =	wrdreg $0xC0  }
0xb1: {  	_ =	task [dreg:s8], $0x5FFFF  }
0xb2: {  	[dreg:$0x1] =	wrdreg $0xFFFFFFFF  }
0xb3: {  	[dreg:$0x0] =	wrdreg $0x60  }
0xb4: {  	[dreg:$0x2] =	wrdreg s15  }
0xb5: {  	[dreg:$0x3] =	wrdreg s24  }
0xb6: {  	[dreg:$0x4] =	wrdreg s16  }
0xb7: {  	[dreg:$0x5] =	wrdreg $0x9  }
0xb8: {  	_ =	task.clear_ibuf [dreg:s8], $0x6FFFF;
	_ =	strace $0x90000046  }
0xb9: {  	s29 =	simm.s32 $0x9;
	_ =	strace $0x80000048  }
0xba: {  	_ =	swait.ge [sflag:s29], $0x1  }
0xbb: {  	[sflag:s29] =	ssyncadd.s32 $0xFFFFFFFF  }
0xbc: {  	_ =	strace $0x90000048  }
0xbd: {  	_ =	sfence  }
0xbe: {  	s30 =	sld [smem:$0x0];
	_ =	sdelay $0x2  }
0xbf: {  	s31 =	sshll.u32 s1, $0xD;
	s1 =	sshrl.u32 s1, $0x2  }
0xc0: {  	s3 =	sand.u32 $0x4000, s31;
	s1 =	sadd.s32 s1, s30  }
0xc1: {  	s0 =	sor.u32 s3, s0;
	s1 =	sshll.u32 s1, $0x11  }
0xc2: {  	s0 =	sor.u32 s1, s0  }
0xc3: {  	s0 =	sadd.s32 $0x8F2B, s0  }
0xc4: {  	[sflag:s0] =	ssyncadd.remote.s32 $0x1  }
0xc5: {  	_ =	sfence.sel $0xFFFF  }
0xc6: {  	[dreg:$0x0] =	wrdreg $0xFFFFFFFF;
	(pc) =	sbr.abs _section_cstart, $3  }
0xc7: {  	[dreg:$0x1] =	wrdreg $0xFFFFFFFF  }
0xc8: {  	_ =	task.clear_ibuf [dreg:s8], $0x2FFFF;
	_ =	strace $0x9FFFFFFF  }
0xc9: {  	(tm) =	ssettm $0x7FFFFFFF  }
tec
execute0_lowered:
.L_overlay_start_1:
0x0: {  	(tag) =	ssettag $0x1  }
0x1: {  	s2 =	srdreg.scid  }
0x2: {  	s1 =	rddreg [dreg:$0x0];
	s0 =	stileid.u32;
	s11 =	sand.u32 $0x1, s2  }
0x3: {  	s4 =	rddreg [dreg:$0x1];
	s31 =	sshll.u32 s0, $0x8;
	s3 =	sshll.u32 s11, $0x7  }
0x4: {  	s12 =	rddreg [dreg:$0x2];
	s13 =	sor.u32 s3, s31  }
0x5: {  	s2 =	rddreg [dreg:$0x3];
	s3 =	simm.s32 $0x0;
	s5 =	sshrl.u32 s13, $0x2  }
0x6: {  	[smem:$0x7FF] =	sst s3;
	s6 =	sadd.s32 s5, s4  }
0x7: {  	_ =	strace $0x80000047;
	s4 =	simm.s32 $0x2;
	s5 =	sadd.s32 $0xE00, s6  }
0x8: {  	[tilespmem:s3], [sflag:$0x2] =	stream.linear.gather [hbm4b:s5+s3], $0x80, $0x38;
	[tilespmem:$0x8100] =	vst v63  }
0x9: {  	_ =	swait.ge [sflag:s4], $0x80  }
0xa: {  	[sflag:s4] =	ssyncset.done $0x0  }
0xb: {  	s7 =	simm.s32 $0x80;
	s6 =	sadd.s32 $0xE10, s6;
	[sflag:s4] =	ssyncadd.s32 $0xFFFFFF80  }
0xc: {  	[tilespmem:s7], [sflag:$0x2] =	stream.linear.gather [hbm4b:s6+s3], $0x80, $0x38;
	[tilespmem:$0x8100] =	vst v63  }
0xd: {  	_ =	swait.ge [sflag:s4], $0x80  }
0xe: {  	[sflag:s4] =	ssyncset.done $0x0  }
0xf: {  	s8 =	simm.s32 $0x100;
	[sflag:s4] =	ssyncadd.s32 $0xFFFFFF80  }
0x10: {  	[tilespmem:s8], [sflag:$0x1] =	stream.indirect.gather [hbm4b:s1+s7], $0x80, s3, s7, $0xb8;
	[tilespmem:$0x8100] =	vst v63  }
0x11: {  	s9 =	simm.s32 $0x4100;
	s10 =	simm.s32 $0x1  }
0x12: {  	[tilespmem:s9], [sflag:$0x1] =	stream.indirect.gather [hbm4b:s1+s7], $0x80, s7, s7, $0xb8;
	[tilespmem:$0x8100] =	vst v63  }
0x13: {  	_ =	swait.ge [sflag:s10], $0x4000  }
0x14: {  	s14 =	ssub.s32 $0x2, s11;
	[sflag:s10] =	ssyncset.done $0x0  }
0x15: {  	s15 =	sshrl.u32 s14, $0x1;
	[sflag:s10] =	ssyncadd.s32 $0xFFFFC000  }
0x16: {  	s13 =	sshll.u32 s13, $0x5;
	s15 =	ssub.s32 s14, s15;
	_ =	swait.ge [sflag:s10], $0x4000  }
0x17: {  	s11 =	sadd.s32 s12, s13;
	s12 =	simm.s32 $0x400;
	[sflag:s10] =	ssyncset.done $0x0  }
0x18: {  	s13 =	simm.s32 $0x800;
	s15 =	smax.u32 s15, $0x1;
	[sflag:s10] =	ssyncadd.s32 $0xFFFFC000  }
0x19: {  	[hbm4b:s11+s12] =	stream.strided.scatter [tilespmem:s8], [sflag:$0x2], $0x4000, s13, s12, $0x38;
	[tilespmem:$0x8100] =	vst v63  }
0x1a: {  	p0 =	sne.s32 s15, $0x1;
	_ =	swait.ge [sflag:s4], $0x4000  }
.Ltmp0:
0x1b: {  	[sflag:s4] =	ssyncset.done $0x0;
	(pc) =	sbr.rel @!p0 .LBB2_2-.Ltmp0, $4  }
0x1c: {  	s14 =	sadd.s32 $0x80, s11;
	[sflag:s4] =	ssyncadd.s32 $0xFFFFC000  }
0x1d: {  	[hbm4b:s14+s12] =	stream.strided.scatter [tilespmem:s9], [sflag:$0x2], $0x4000, s13, s12, $0x38;
	[tilespmem:$0x8100] =	vst v63  }
0x1e: {  	_ =	swait.ge [sflag:s4], $0x4000  }
0x1f: {  	s15 =	sadd.s32 $0xFFFFFFFF, s15;
	[sflag:s4] =	ssyncset.done $0x0  }
.LBB2_1:
0x20: {  	p0 =	sne.s32 s15, $0x1;
	s15 =	sadd.s32 $0xFFFFFFFF, s15;
	[sflag:s4] =	ssyncadd.s32 $0xFFFFC000  }
0x21: {  	[tilespmem:s3], [sflag:$0x2] =	stream.linear.gather [hbm4b:s5+s3], $0x80, $0x38;
	[tilespmem:$0x8100] =	vst v63  }
0x22: {  	_ =	swait.ge [sflag:s4], $0x80  }
0x23: {  	[sflag:s4] =	ssyncset.done $0x0  }
0x24: {  	[sflag:s4] =	ssyncadd.s32 $0xFFFFFF80  }
0x25: {  	[tilespmem:s7], [sflag:$0x2] =	stream.linear.gather [hbm4b:s6+s3], $0x80, $0x38;
	[tilespmem:$0x8100] =	vst v63  }
0x26: {  	_ =	swait.ge [sflag:s4], $0x80  }
0x27: {  	[sflag:s4] =	ssyncset.done $0x0  }
0x28: {  	[sflag:s4] =	ssyncadd.s32 $0xFFFFFF80  }
0x29: {  	[tilespmem:s8], [sflag:$0x1] =	stream.indirect.gather [hbm4b:s1+s7], $0x80, s3, s7, $0xb8;
	[tilespmem:$0x8100] =	vst v63  }
0x2a: {  	_ = 	snop  }
0x2b: {  	[tilespmem:s9], [sflag:$0x1] =	stream.indirect.gather [hbm4b:s1+s7], $0x80, s7, s7, $0xb8;
	[tilespmem:$0x8100] =	vst v63  }
0x2c: {  	_ =	swait.ge [sflag:s10], $0x4000  }
0x2d: {  	[sflag:s10] =	ssyncset.done $0x0  }
0x2e: {  	[sflag:s10] =	ssyncadd.s32 $0xFFFFC000  }
0x2f: {  	_ =	swait.ge [sflag:s10], $0x4000  }
0x30: {  	[sflag:s10] =	ssyncset.done $0x0  }
0x31: {  	[sflag:s10] =	ssyncadd.s32 $0xFFFFC000  }
0x32: {  	[hbm4b:s11+s12] =	stream.strided.scatter [tilespmem:s8], [sflag:$0x2], $0x4000, s13, s12, $0x38;
	[tilespmem:$0x8100] =	vst v63  }
0x33: {  	_ =	swait.ge [sflag:s4], $0x4000  }
.Ltmp1:
0x34: {  	[sflag:s4] =	ssyncset.done $0x0;
	(pc) =	sbr.rel @p0 .LBB2_1-.Ltmp1, $4  }
0x35: {  	[sflag:s4] =	ssyncadd.s32 $0xFFFFC000  }
0x36: {  	[hbm4b:s14+s12] =	stream.strided.scatter [tilespmem:s9], [sflag:$0x2], $0x4000, s13, s12, $0x38;
	[tilespmem:$0x8100] =	vst v63  }
0x37: {  	_ =	swait.ge [sflag:s4], $0x4000  }
0x38: {  	[sflag:s4] =	ssyncset.done $0x0  }
.LBB2_2:
0x39: {  	[sflag:s4] =	ssyncadd.s32 $0xFFFFC000  }
0x3a: {  	_ =	sfence.sel $0x180000  }
0x3b: {  	[bflag:$0x0] =	sbarrier.arrive $0xFFFF  }
0x3c: {  	p0 =	sne.s32 s0, $0x0;
	_ =	strace $0x90000047  }
0x3d: {  	s0 =	sadd.s32 @!p0 $0x100000, s2;
	[bflag:$0x2] =	sbarrier.arrive $0xFFFF  }
0x3e: {  	[sflag:s0] =	ssyncadd.tile.s32 @!p0 $0x1;
	_ =	shalt  }
.Lfunc_end2:
_tile_overlayer_lowered:
.L_overlay_start_2:
0x3f: {  	(tag) =	ssettag $0x2  }
0x40: {  	s0 =	rddreg [dreg:$0x0];
	s2 =	stileid.u32  }
0x41: {  	s1 =	rddreg [dreg:$0x1];
	p0 =	sne.s32 s2, $0x0  }
0x42: {  	s3 =	rddreg [dreg:$0x2];
	[bflag:$0x3] =	sbarrier.arrive $0xFFFF;
	s2 =	simm.s32 @!p0 $0x1C02  }
0x43: {  	[timem:s3], [sflag:s2] =	dma.local @!p0 [hbm:s0], s1  }
0x44: {  	s0 =	simm.s32 @!p0 $0x2  }
0x45: {  	_ =	swait.ge @!p0 [sflag:s0], s1  }
0x46: {  	s1 =	ssub.s32 @!p0 $0x0, s1;
	[sflag:s0] =	ssyncset.done @!p0 $0x0  }
0x47: {  	[sflag:s0] =	ssyncadd.s32 @!p0 s1  }
0x48: {  	[bflag:$0x3] =	sbarrier.arrive $0xFFFF  }
0x49: {  	_ =	shalt  }

</sc_bundles>
